<compile_context>
chip_gen: v7x
topology: tpu7x:2x2x1
jax: 0.10.2.dev20260603
libtpu: 0.0.44.dev20260713+nightly
codegen_flags: <defaults>
</compile_context>

<pallas_src>
import functools
import math

import jax
import jax.numpy as jnp
from jax import lax
from jax.experimental import pallas as pl
from jax.experimental.pallas import tpu as pltpu
from jax.experimental.pallas import tpu_sc as plsc

D_MODEL = 64
_SCALE = math.sqrt(D_MODEL)


@functools.lru_cache(maxsize=None)
def _make_gather(vocab: int, d: int, b: int):
    info = plsc.get_sparse_core_info()
    nc, ns, lanes = info.num_cores, info.num_subcores, info.num_lanes
    nw = nc * ns
    assert b % nw == 0
    b_per_w = b // nw
    ch = 800
    while b_per_w % ch:
        ch //= 2
    n_ch = b_per_w // ch

    mesh = plsc.VectorSubcoreMesh(core_axis_name="c", subcore_axis_name="s")

    @functools.partial(
        pl.kernel,
        mesh=mesh,
        out_type=jax.ShapeDtypeStruct((b, d), jnp.float32),
        compiler_params=pltpu.CompilerParams(use_tc_tiling_on_sc=False),
        scratch_types=[
            pltpu.VMEM((b_per_w,), jnp.int32),
            pltpu.VMEM((ch, d), jnp.float32),
            pltpu.SemaphoreType.DMA,
        ],
    )
    def gather_kernel(idx_hbm, table_hbm, out_hbm, idx_v, rows_v, sem):
        wid = lax.axis_index("s") * nc + lax.axis_index("c")
        base = wid * b_per_w
        pltpu.sync_copy(idx_hbm.at[pl.ds(base, b_per_w)], idx_v)

        def chunk_body(c, carry):
            off = pl.multiple_of(c * ch, 8)
            pltpu.async_copy(
                table_hbm.at[idx_v.at[pl.ds(off, ch)]], rows_v, sem
            ).wait()

            def scale_body(r, carry2):
                for j in range(d // lanes):
                    sl = pl.ds(j * lanes, lanes)
                    rows_v[r, sl] = rows_v[r, sl] * _SCALE
                return carry2

            lax.fori_loop(0, ch, scale_body, 0)
            pltpu.sync_copy(rows_v, out_hbm.at[pl.ds(base + off, ch)])
            return carry

        lax.fori_loop(0, n_ch, chunk_body, 0)

    return gather_kernel


def kernel(x, table):
    batch, seq = x.shape
    vocab, d = table.shape
    b = batch * seq
    xf = x.reshape(b).astype(jnp.int32)
    out = _make_gather(vocab, d, b)(xf, table)
    return out.reshape(batch, seq, d)

# --- scband reference (transcript-rebuilt; emitter-appended) ---
"""Pipeline reference for scband-input-embeddings-50861002719789 (READ-ONLY COPY).

The authoritative reference and input builder live on the scoring server;
editing this copy changes nothing except your own understanding.
"""

import jax, jax.numpy as jnp
import numpy as np
import math

D_MODEL = 64
VOCAB_SIZE = 1000000

def setup_inputs(seed: int = 0) -> dict:
    key = jax.random.key(seed)
    k1, k2 = jax.random.split(key)
    x = jax.random.randint(k1, (1024, 200), 0, VOCAB_SIZE, dtype=jnp.int64 if jax.config.jax_enable_x64 else jnp.int32)
    # nn.Embedding default init: N(0, 1)
    table = jax.random.normal(k2, (VOCAB_SIZE, D_MODEL), dtype=jnp.float32)
    return {"x": x, "table": table}

def reference(x, table):
    # (batch, seq_length) -> (batch, seq_length, d_model), scaled by sqrt(d_model)
    emb = jnp.take(table, x, axis=0)
    return emb * math.sqrt(D_MODEL)

if __name__ == "__main__":
    import jax
    _d = setup_inputs()
    print(jax.jit(kernel)(*tuple(_d.values())))

</pallas_src>

<mosaic_0001>
#map = affine_map<(d0, d1) -> (0)>
#map1 = affine_map<(d0, d1) -> (0, 0)>
module attributes {stable_mosaic.version = 14 : i64} {
  func.func @gather_kernel(%arg0: i32, %arg1: i32, %arg2: memref<204800xi32, #tpu.memory_space<hbm>>, %arg3: memref<1000000x64xf32, #tpu.memory_space<hbm>>, %arg4: memref<204800x64xf32, #tpu.memory_space<hbm>>, %arg5: memref<6400xi32, #tpu.memory_space<vmem>>, %arg6: memref<800x64xf32, #tpu.memory_space<vmem>>, %arg7: memref<!tpu.dma_semaphore, #tpu.memory_space<semaphore_mem>>) attributes {dimension_semantics = [#tpu.dimension_semantics<core_parallel>, #tpu.dimension_semantics<subcore_parallel>], iteration_bounds = array<i64: 2, 16>, scalar_prefetch = 0 : i64, scratch_operands = 3 : i64, tpu.core_type = #tpu.core_type<sc_vector_subcore>, window_params = [{transform_indices = #map}, {transform_indices = #map1}, {transform_indices = #map1}]} {
    %mul3A = arith.constant 2 : i32
    %mul3A_0 = arith.muli %arg1, %mul3A : i32
    %add3A = arith.addi %mul3A_0, %arg0 : i32
    %mul3A_1 = arith.constant 6400 : i32
    %mul3A_2 = arith.muli %add3A, %mul3A_1 : i32
    "tpu.region"() ({
      %run_scoped3A = tpu.sem_alloc : memref<!tpu.dma_semaphore, #tpu.memory_space<semaphore_mem>>
      %dma_start3A = tpu.memref_slice %arg2[%mul3A_2] : memref<204800xi32, #tpu.memory_space<hbm>> -> memref<6400xi32, #tpu.memory_space<hbm>>
      %dma_start3A_8 = tpu.memref_slice %arg2[%mul3A_2] : memref<204800xi32, #tpu.memory_space<hbm>> -> memref<6400xi32, #tpu.memory_space<hbm>>
      tpu.enqueue_dma source(%dma_start3A_8 : memref<6400xi32, #tpu.memory_space<hbm>>) target(%arg5 : memref<6400xi32, #tpu.memory_space<vmem>>) target_semaphore(%run_scoped3A : memref<!tpu.dma_semaphore, #tpu.memory_space<semaphore_mem>>)
      %dma_wait3A = tpu.memref_slice %arg2[%mul3A_2] : memref<204800xi32, #tpu.memory_space<hbm>> -> memref<6400xi32, #tpu.memory_space<hbm>>
      %dma_wait3A_9 = tpu.memref_slice %arg2[%mul3A_2] : memref<204800xi32, #tpu.memory_space<hbm>> -> memref<6400xi32, #tpu.memory_space<hbm>>
      tpu.wait_dma2 semaphore(%run_scoped3A : memref<!tpu.dma_semaphore, #tpu.memory_space<semaphore_mem>>) src(%dma_wait3A_9 : memref<6400xi32, #tpu.memory_space<hbm>>) dst(%arg5 : memref<6400xi32, #tpu.memory_space<vmem>>)
      tpu.yield
    }) : () -> ()
    %scan3A = arith.constant 0 : i32
    %scan3A_3 = arith.constant 0 : i32
    %scan3A_4 = arith.constant 8 : i32
    %scan3A_5 = arith.addi %scan3A_3, %scan3A_4 : i32
    %scan3A_6 = arith.constant 1 : i32
    scf.for %scan3A_8 = %scan3A_3 to %scan3A_5 step %scan3A_6  : i32 {
      %mul3A_9 = arith.constant 800 : i32
      %mul3A_10 = arith.muli %scan3A_8, %mul3A_9 : i32
      %multiple_of3A = tpu.assume_multiple %mul3A_10, 8 : i32
      %dma_start3A = tpu.memref_slice %arg5[%multiple_of3A] : memref<6400xi32, #tpu.memory_space<vmem>> -> memref<800xi32, #tpu.memory_space<vmem>>
      %dma_start3A_11 = arith.constant 0 : i32
      %dma_start3A_12 = arith.constant 0 : i32
      %dma_start3A_13 = tpu.memref_slice %arg3[%dma_start3A_11, %dma_start3A_12] : memref<1000000x64xf32, #tpu.memory_space<hbm>> -> memref<1000000x64xf32, #tpu.memory_space<hbm>>
      tpu.enqueue_indirect_dma source(%dma_start3A_13 : memref<1000000x64xf32, #tpu.memory_space<hbm>>) target(%arg6 : memref<800x64xf32, #tpu.memory_space<vmem>>) offsets(%dma_start3A : memref<800xi32, #tpu.memory_space<vmem>>) semaphore(%arg7 : memref<!tpu.dma_semaphore, #tpu.memory_space<semaphore_mem>>)
      %dma_wait3A = tpu.memref_slice %arg5[%multiple_of3A] : memref<6400xi32, #tpu.memory_space<vmem>> -> memref<800xi32, #tpu.memory_space<vmem>>
      %dma_wait3A_14 = arith.constant 0 : i32
      %dma_wait3A_15 = arith.constant 0 : i32
      %dma_wait3A_16 = tpu.memref_slice %arg3[%dma_wait3A_14, %dma_wait3A_15] : memref<1000000x64xf32, #tpu.memory_space<hbm>> -> memref<1000000x64xf32, #tpu.memory_space<hbm>>
      tpu.wait_indirect_dma semaphore(%arg7 : memref<!tpu.dma_semaphore, #tpu.memory_space<semaphore_mem>>) src(%dma_wait3A_16 : memref<1000000x64xf32, #tpu.memory_space<hbm>>) dst(%arg6 : memref<800x64xf32, #tpu.memory_space<vmem>>)
      %scan3A_17 = arith.constant 0 : i32
      %scan3A_18 = arith.constant 0 : i32
      %scan3A_19 = arith.constant 800 : i32
      %scan3A_20 = arith.addi %scan3A_18, %scan3A_19 : i32
      %scan3A_21 = arith.constant 1 : i32
      scf.for %scan3A_24 = %scan3A_18 to %scan3A_20 step %scan3A_21  : i32 {
        %get3A = arith.index_cast %scan3A_24 : i32 to index
        %get3A_25 = arith.constant 0 : index
        %get3A_26 = tpu.vector_load %arg6[%get3A, %get3A_25] {strides = array<i32>} : memref<800x64xf32, #tpu.memory_space<vmem>>, vector<1x16xf32>,
        %get3A_27 = vector.shape_cast %get3A_26 : vector<1x16xf32> to vector<16xf32>
        %mul3A_28 = arith.constant 8.000000e+00 : f32
        %mul3A_29 = vector.broadcast %mul3A_28 : f32 to vector<16xf32>
        %mul3A_30 = arith.mulf %get3A_27, %mul3A_29 : vector<16xf32>
        %swap3A = arith.index_cast %scan3A_24 : i32 to index
        %swap3A_31 = arith.constant 0 : index
        %swap3A_32 = tpu.vector_load %arg6[%swap3A, %swap3A_31] {strides = array<i32>} : memref<800x64xf32, #tpu.memory_space<vmem>>, vector<1x16xf32>,
        %swap3A_33 = vector.shape_cast %swap3A_32 : vector<1x16xf32> to vector<16xf32>
        %swap3A_34 = vector.shape_cast %mul3A_30 : vector<16xf32> to vector<1x16xf32>
        tpu.vector_store %arg6[%swap3A, %swap3A_31], %swap3A_34 {strides = array<i32>} : memref<800x64xf32, #tpu.memory_space<vmem>>, vector<1x16xf32>,
        %get3A_35 = arith.index_cast %scan3A_24 : i32 to index
        %get3A_36 = arith.constant 16 : index
        %get3A_37 = tpu.vector_load %arg6[%get3A_35, %get3A_36] {strides = array<i32>} : memref<800x64xf32, #tpu.memory_space<vmem>>, vector<1x16xf32>,
        %get3A_38 = vector.shape_cast %get3A_37 : vector<1x16xf32> to vector<16xf32>
        %mul3A_39 = arith.constant 8.000000e+00 : f32
        %mul3A_40 = vector.broadcast %mul3A_39 : f32 to vector<16xf32>
        %mul3A_41 = arith.mulf %get3A_38, %mul3A_40 : vector<16xf32>
        %swap3A_42 = arith.index_cast %scan3A_24 : i32 to index
        %swap3A_43 = arith.constant 16 : index
        %swap3A_44 = tpu.vector_load %arg6[%swap3A_42, %swap3A_43] {strides = array<i32>} : memref<800x64xf32, #tpu.memory_space<vmem>>, vector<1x16xf32>,
        %swap3A_45 = vector.shape_cast %swap3A_44 : vector<1x16xf32> to vector<16xf32>
        %swap3A_46 = vector.shape_cast %mul3A_41 : vector<16xf32> to vector<1x16xf32>
        tpu.vector_store %arg6[%swap3A_42, %swap3A_43], %swap3A_46 {strides = array<i32>} : memref<800x64xf32, #tpu.memory_space<vmem>>, vector<1x16xf32>,
        %get3A_47 = arith.index_cast %scan3A_24 : i32 to index
        %get3A_48 = arith.constant 32 : index
        %get3A_49 = tpu.vector_load %arg6[%get3A_47, %get3A_48] {strides = array<i32>} : memref<800x64xf32, #tpu.memory_space<vmem>>, vector<1x16xf32>,
        %get3A_50 = vector.shape_cast %get3A_49 : vector<1x16xf32> to vector<16xf32>
        %mul3A_51 = arith.constant 8.000000e+00 : f32
        %mul3A_52 = vector.broadcast %mul3A_51 : f32 to vector<16xf32>
        %mul3A_53 = arith.mulf %get3A_50, %mul3A_52 : vector<16xf32>
        %swap3A_54 = arith.index_cast %scan3A_24 : i32 to index
        %swap3A_55 = arith.constant 32 : index
        %swap3A_56 = tpu.vector_load %arg6[%swap3A_54, %swap3A_55] {strides = array<i32>} : memref<800x64xf32, #tpu.memory_space<vmem>>, vector<1x16xf32>,
        %swap3A_57 = vector.shape_cast %swap3A_56 : vector<1x16xf32> to vector<16xf32>
        %swap3A_58 = vector.shape_cast %mul3A_53 : vector<16xf32> to vector<1x16xf32>
        tpu.vector_store %arg6[%swap3A_54, %swap3A_55], %swap3A_58 {strides = array<i32>} : memref<800x64xf32, #tpu.memory_space<vmem>>, vector<1x16xf32>,
        %get3A_59 = arith.index_cast %scan3A_24 : i32 to index
        %get3A_60 = arith.constant 48 : index
        %get3A_61 = tpu.vector_load %arg6[%get3A_59, %get3A_60] {strides = array<i32>} : memref<800x64xf32, #tpu.memory_space<vmem>>, vector<1x16xf32>,
        %get3A_62 = vector.shape_cast %get3A_61 : vector<1x16xf32> to vector<16xf32>
        %mul3A_63 = arith.constant 8.000000e+00 : f32
        %mul3A_64 = vector.broadcast %mul3A_63 : f32 to vector<16xf32>
        %mul3A_65 = arith.mulf %get3A_62, %mul3A_64 : vector<16xf32>
        %swap3A_66 = arith.index_cast %scan3A_24 : i32 to index
        %swap3A_67 = arith.constant 48 : index
        %swap3A_68 = tpu.vector_load %arg6[%swap3A_66, %swap3A_67] {strides = array<i32>} : memref<800x64xf32, #tpu.memory_space<vmem>>, vector<1x16xf32>,
        %swap3A_69 = vector.shape_cast %swap3A_68 : vector<1x16xf32> to vector<16xf32>
        %swap3A_70 = vector.shape_cast %mul3A_65 : vector<16xf32> to vector<1x16xf32>
        tpu.vector_store %arg6[%swap3A_66, %swap3A_67], %swap3A_70 {strides = array<i32>} : memref<800x64xf32, #tpu.memory_space<vmem>>, vector<1x16xf32>,
      }
      %scan3A_22 = arith.constant 800 : i32
      %add3A_23 = arith.addi %mul3A_2, %multiple_of3A : i32
      "tpu.region"() ({
        %run_scoped3A = tpu.sem_alloc : memref<!tpu.dma_semaphore, #tpu.memory_space<semaphore_mem>>
        %dma_start3A_24 = arith.constant 0 : i32
        %dma_start3A_25 = tpu.memref_slice %arg4[%add3A_23, %dma_start3A_24] : memref<204800x64xf32, #tpu.memory_space<hbm>> -> memref<800x64xf32, #tpu.memory_space<hbm>>
        %dma_start3A_26 = arith.constant 0 : i32
        %dma_start3A_27 = tpu.memref_slice %arg4[%add3A_23, %dma_start3A_26] : memref<204800x64xf32, #tpu.memory_space<hbm>> -> memref<800x64xf32, #tpu.memory_space<hbm>>
        tpu.enqueue_dma source(%arg6 : memref<800x64xf32, #tpu.memory_space<vmem>>) target(%dma_start3A_27 : memref<800x64xf32, #tpu.memory_space<hbm>>) target_semaphore(%run_scoped3A : memref<!tpu.dma_semaphore, #tpu.memory_space<semaphore_mem>>)
        %dma_wait3A_28 = arith.constant 0 : i32
        %dma_wait3A_29 = tpu.memref_slice %arg4[%add3A_23, %dma_wait3A_28] : memref<204800x64xf32, #tpu.memory_space<hbm>> -> memref<800x64xf32, #tpu.memory_space<hbm>>
        %dma_wait3A_30 = arith.constant 0 : i32
        %dma_wait3A_31 = tpu.memref_slice %arg4[%add3A_23, %dma_wait3A_30] : memref<204800x64xf32, #tpu.memory_space<hbm>> -> memref<800x64xf32, #tpu.memory_space<hbm>>
        tpu.wait_dma2 semaphore(%run_scoped3A : memref<!tpu.dma_semaphore, #tpu.memory_space<semaphore_mem>>) src(%arg6 : memref<800x64xf32, #tpu.memory_space<vmem>>) dst(%dma_wait3A_31 : memref<800x64xf32, #tpu.memory_space<hbm>>)
        tpu.yield
      }) : () -> ()
    }
    %scan3A_7 = arith.constant 8 : i32
    return
  }
}

</mosaic_0001>

<sc_bundles>
// kernel: kernel.3.cloned.1.call-start
scs
__scs_entry_jumppad:
0x0: {  	(pc) =	sbr.rel $0x88, $3  }
0x1: {  	(tag) =	ssettag $0x0;
	lr =	simm.s32 $0x1  }
0x2: {  	[smem:$0x3F9F] =	sst lr;
	_ =	strace $0xD0000000  }
0x3: {  	_ = 	snop  }
0x4: {  	_ = 	snop  }
0x5: {  	_ = 	snop  }
0x6: {  	_ = 	snop  }
0x7: {  	_ = 	snop  }
__scs_overlays_trampoline_lowered:
0x8: {  	[smem:$0x3FAE] =	sst s0  }
0x9: {  	[smem:$0x3FAF] =	sst s1  }
0xa: {  	[smem:$0x3FB0] =	sst s2  }
0xb: {  	[smem:$0x3FB1] =	sst s3  }
0xc: {  	[smem:$0x3FB2] =	sst s4  }
0xd: {  	[smem:$0x3FB3] =	sst s5  }
0xe: {  	[smem:$0x3FB4] =	sst s6  }
0xf: {  	[smem:$0x3FB5] =	sst s7  }
0x10: {  	[smem:$0x3FB6] =	sst s8  }
0x11: {  	[smem:$0x3FB7] =	sst s9;
	s0 =	simm.s32 @!p0 $0x0  }
0x12: {  	s1 =	sld [smem:$0x3F9D];
	s0 =	simm.s32 @p0 $0x1  }
0x13: {  	[smem:$0x3FB8] =	sst s0;
	s0 =	simm.s32 @!p1 $0x0  }
0x14: {  	s2 =	sld [smem:$0x3F9C];
	s0 =	simm.s32 @p1 $0x1  }
0x15: {  	[smem:$0x3FB9] =	sst s0;
	s0 =	simm.s32 @!p2 $0x0  }
0x16: {  	s3 =	sld [smem:$0x3FDB];
	s0 =	simm.s32 @p2 $0x1  }
0x17: {  	s4 =	simm.s32 $0x1BF5;
	[smem:$0x3FBB] =	sst s0  }
0x18: {  	s0 =	sld [smem:$0x3F9E];
	_ =	swait.ge [sflag:s4], $0x0  }
0x19: {  	s7 =	sld [smem:$0x3F9F]  }
0x1a: {  	s8 =	sadd.s32 $0xFFFFE003, lr  }
0x1b: {  	s9 =	sadd.s32 $0xFFFFFEF7, lr;
	s5 =	simm.s32 $0xFFFFFFFF;
	p2 =	slt.u32 s8, $0xFFFFF086  }
0x1c: {  	p1 =	slt.u32 s9, $0xF7A;
	s5 =	simm.s32 @!p2 $0x0  }
0x1d: {  	s5 =	simm.s32 @p1 $0x1;
	p0 =	seq.s32 s7, s2  }
0x1e: {  	s7 =	smul.u32 @!p0 $0xF7A, s2;
	p2 =	seq.s32 @!p0 s5, $0x0  }
0x1f: {  	s9 =	smul.u32 $0xF7A, s1;
	s8 =	simm.s32 @!p0 $0x1BF5;
	p2 =	por !p2, p0  }
0x20: {  	[sflag:s8] =	ssyncset.s32 @!p0 $0xFFFFF086;
	s6 =	sadd.s32 @!p0 s3, s7;
	s7 =	simm.s32 @!p0 $0x108  }
0x21: {  	s3 =	sadd.s32 s3, s9;
	s6 =	sadd.s32 @!p0 $0x88, s6;
	s7 =	simm.s32 @p2 $0x1082  }
0x22: {  	[simem:s7], [sflag:s8] =	dma.local @!p0 [hbm:s6], $0xF7A  }
0x23: {  	s9 =	sor.u32 $0xD0000000, s2;
	s6 =	simm.s32 $0x108;
	_ =	swait.ge @!p0 [sflag:s8], $0x0  }
0x24: {  	s3 =	sadd.s32 $0x88, s3;
	s6 =	simm.s32 @!p1 $0x1082;
	[sflag:s4] =	ssyncset.s32 $0xFFFFF086  }
0x25: {  	[simem:s6], [sflag:s4] =	dma.local [hbm:s3], $0xF7A  }
0x26: {  	[smem:$0x3F9F] =	sst s1;
	(tag) =	ssettag s2;
	_ =	strace s9  }
0x27: {  	s1 =	sld [smem:$0x3FAF]  }
0x28: {  	s2 =	sld [smem:$0x3FB0]  }
0x29: {  	s4 =	sld [smem:$0x3FB2]  }
0x2a: {  	p0 =	seq.s32 s5, $0x0;
	s5 =	sld [smem:$0x3FB3]  }
0x2b: {  	s6 =	sld [smem:$0x3FB4]  }
0x2c: {  	s7 =	sld [smem:$0x3FB5]  }
0x2d: {  	s3 =	simm.s32 $0x108;
	s8 =	sld [smem:$0x3FB6]  }
0x2e: {  	s3 =	simm.s32 @!p0 $0x1082;
	s9 =	sld [smem:$0x3FB7]  }
0x2f: {  	lr =	sadd.s32 s0, s3;
	s0 =	sld [smem:$0x3FAE]  }
0x30: {  	s3 =	sld [smem:$0x3FB1]  }
0x31: {  	[smem:$0x3FBA] =	sst s10  }
0x32: {  	s10 =	sld [smem:$0x3FB8];
	_ =	sdelay $0x3  }
0x33: {  	p0 =	seq.s32 s10, $0x1;
	s10 =	sld [smem:$0x3FBA];
	_ =	sdelay $0x3  }
0x34: {  	[smem:$0x3FBA] =	sst s10  }
0x35: {  	s10 =	sld [smem:$0x3FB9];
	_ =	sdelay $0x3  }
0x36: {  	p1 =	seq.s32 s10, $0x1;
	s10 =	sld [smem:$0x3FBA];
	_ =	sdelay $0x3  }
0x37: {  	[smem:$0x3FBA] =	sst s10  }
0x38: {  	s10 =	sld [smem:$0x3FBB]  }
0x39: {  	_ = 	snop;
	(pc) =	sbr.ind lr, $3  }
0x3a: {  	_ = 	snop  }
0x3b: {  	_ = 	snop  }
0x3c: {  	p2 =	seq.s32 s10, $0x1;
	s10 =	sld [smem:$0x3FBA]  }
0x3d: {  	_ =	shalt  }
0x3e: {  	_ =	shalt  }
0x3f: {  	_ =	shalt  }
0x40: {  	_ =	shalt  }
0x41: {  	_ =	shalt  }
0x42: {  	_ =	shalt  }
0x43: {  	_ =	shalt  }
0x44: {  	_ =	shalt  }
0x45: {  	_ =	shalt  }
0x46: {  	_ =	shalt  }
0x47: {  	_ =	shalt  }
0x48: {  	_ =	shalt  }
0x49: {  	_ =	shalt  }
0x4a: {  	_ =	shalt  }
0x4b: {  	_ =	shalt  }
0x4c: {  	_ =	shalt  }
0x4d: {  	_ =	shalt  }
0x4e: {  	_ =	shalt  }
0x4f: {  	_ =	shalt  }
0x50: {  	_ =	shalt  }
0x51: {  	_ =	shalt  }
0x52: {  	_ =	shalt  }
0x53: {  	_ =	shalt  }
0x54: {  	_ =	shalt  }
0x55: {  	_ =	shalt  }
0x56: {  	_ =	shalt  }
0x57: {  	_ =	shalt  }
0x58: {  	_ =	shalt  }
0x59: {  	_ =	shalt  }
0x5a: {  	_ =	shalt  }
0x5b: {  	_ =	shalt  }
0x5c: {  	_ =	shalt  }
0x5d: {  	_ =	shalt  }
0x5e: {  	_ =	shalt  }
0x5f: {  	_ =	shalt  }
0x60: {  	_ =	shalt  }
0x61: {  	_ =	shalt  }
0x62: {  	_ =	shalt  }
0x63: {  	_ =	shalt  }
0x64: {  	_ =	shalt  }
0x65: {  	_ =	shalt  }
0x66: {  	_ =	shalt  }
0x67: {  	_ =	shalt  }
0x68: {  	_ =	shalt  }
0x69: {  	_ =	shalt  }
0x6a: {  	_ =	shalt  }
0x6b: {  	_ =	shalt  }
0x6c: {  	_ =	shalt  }
0x6d: {  	_ =	shalt  }
0x6e: {  	_ =	shalt  }
0x6f: {  	_ =	shalt  }
0x70: {  	_ =	shalt  }
0x71: {  	_ =	shalt  }
0x72: {  	_ =	shalt  }
0x73: {  	_ =	shalt  }
0x74: {  	_ =	shalt  }
0x75: {  	_ =	shalt  }
0x76: {  	_ =	shalt  }
0x77: {  	_ =	shalt  }
0x78: {  	_ =	shalt  }
0x79: {  	_ =	shalt  }
0x7a: {  	_ =	shalt  }
0x7b: {  	_ =	shalt  }
0x7c: {  	_ =	shalt  }
0x7d: {  	_ =	shalt  }
0x7e: {  	_ =	shalt  }
0x7f: {  	_ =	shalt  }
0x80: {  	_ =	shalt  }
0x81: {  	_ =	shalt  }
0x82: {  	_ =	shalt  }
0x83: {  	_ =	shalt  }
0x84: {  	_ =	shalt  }
0x85: {  	_ =	shalt  }
0x86: {  	_ =	shalt  }
0x87: {  	_ =	shalt  }
.Lfunc_end0:
.L_simem_size_0:
called_computation.1_lowered:
.L_overlay_start_0:
0x88: {  	s2 =	sld [smem:$0x3FD9]  }
0x89: {  	s3 =	sld [smem:$0x3FFE];
	_ =	sdelay $0x1  }
0x8a: {  	s1 =	srdreg.scid  }
0x8b: {  	s0 =	sand.u32 $0x1, s1  }
0x8c: {  	s17 =	sshll.u32 s0, $0xA;
	s2 =	sadd.s32 s3, s2  }
0x8d: {  	s2 =	sadd.s32 s2, s17  }
0x8e: {  	[smem:$0x3FC6] =	sst s2  }
0x8f: {  	_ = 	snop  }
0x90: {  	s2 =	sld [smem:$0x3FD0];
	(tm) =	ssettm $0x1  }
0x91: {  	s18 =	sld [smem:$0x3FFB];
	_ =	sdelay $0x3  }
0x92: {  	_ =	strace s18  }
0x93: {  	s3 =	sld [smem:$0x3FFC];
	_ =	sdelay $0x3  }
0x94: {  	_ =	strace s3  }
0x95: {  	s3 =	sld [smem:$0x3FFD];
	_ =	sdelay $0x3  }
0x96: {  	_ =	strace s3  }
0x97: {  	_ =	strace $0x8FFFFFFF  }
0x98: {  	s19 =	sld [smem:$0x3FDB];
	_ =	sdelay $0x1  }
0x99: {  	s4 =	simm.s32 $_scs_section_size  }
0x9a: {  	s5 =	simm.s32 $_size__tile_overlayer_lowered;
	s6 =	simm.s32 $_tile_overlayer_lowered  }
0x9b: {  	s22 =	simm.s32 $0x1BFF;
	s21 =	sshll.u32 s6, $0x1;
	s3 =	sadd.s32 s4, s19  }
0x9c: {  	s7 =	simm.s32 $0x0;
	s20 =	sshll.u32 s5, $0x1;
	s5 =	sadd.s32 s21, s3  }
0x9d: {  	[timem:s7], [sflag:s22] =	dma.local [hbm:s5], s20  }
0x9e: {  	_ =	swait.ge [sflag:s22], s20  }
0x9f: {  	s4 =	ssub.s32 $0x0, s20;
	[sflag:s22] =	ssyncset.done $0x0  }
0xa0: {  	[sflag:s22] =	ssyncadd.s32 s4;
	_ =	sdelay $0x1  }
0xa1: {  	s23 =	simm.s32 $0x1B8B  }
0xa2: {  	_ =	swait.ge [sflag:s23], $0x1  }
0xa3: {  	[sflag:s23] =	ssyncset.done $0x0  }
0xa4: {  	s25 =	simm.s32 $0x1B8E;
	s24 =	sld [smem:$0x3FFE];
	[sflag:s23] =	ssyncadd.s32 $0xFFFFFFFF  }
0xa5: {  	s26 =	simm.s32 $execute0_lowered;
	[smem:$0x3FD2] =	sst s25  }
0xa6: {  	s5 =	sshll.u32 s26, $0x1;
	_ =	strace $0x80000046;
	[dreg:$0x1] =	wrdreg $0xFFFFFFFF  }
0xa7: {  	s28 =	simm.s32 $_size_execute0_lowered;
	s3 =	sadd.s32 s3, s5;
	[dreg:$0x0] =	wrdreg $0x0  }
0xa8: {  	s5 =	sshll.u32 s28, $0x1;
	[dreg:$0x2] =	wrdreg s3  }
0xa9: {  	[dreg:$0x3] =	wrdreg s5  }
0xaa: {  	[dreg:$0x4] =	wrdreg $0xC0  }
0xab: {  	_ =	task [dreg:s7], $0x5FFFF  }
0xac: {  	[dreg:$0x1] =	wrdreg $0xFFFFFFFF  }
0xad: {  	[dreg:$0x0] =	wrdreg $0x60  }
0xae: {  	[dreg:$0x2] =	wrdreg s24  }
0xaf: {  	[dreg:$0x3] =	wrdreg s2  }
0xb0: {  	[dreg:$0x4] =	wrdreg $0x9  }
0xb1: {  	_ =	task.clear_ibuf [dreg:s7], $0x5FFFF;
	_ =	strace $0x90000046  }
0xb2: {  	s29 =	simm.s32 $0x9;
	_ =	strace $0x80000048  }
0xb3: {  	_ =	swait.ge [sflag:s29], $0x1  }
0xb4: {  	[sflag:s29] =	ssyncadd.s32 $0xFFFFFFFF  }
0xb5: {  	_ =	strace $0x90000048  }
0xb6: {  	_ =	sfence  }
0xb7: {  	s30 =	sld [smem:$0x0];
	_ =	sdelay $0x2  }
0xb8: {  	s31 =	sshll.u32 s1, $0xD;
	s1 =	sshrl.u32 s1, $0x2  }
0xb9: {  	s3 =	sand.u32 $0x4000, s31;
	s1 =	sadd.s32 s1, s30  }
0xba: {  	s0 =	sor.u32 s3, s0;
	s1 =	sshll.u32 s1, $0x11  }
0xbb: {  	s0 =	sor.u32 s1, s0  }
0xbc: {  	s0 =	sadd.s32 $0x8F2B, s0  }
0xbd: {  	[sflag:s0] =	ssyncadd.remote.s32 $0x1  }
0xbe: {  	_ =	sfence.sel $0xFFFF  }
0xbf: {  	[dreg:$0x0] =	wrdreg $0xFFFFFFFF;
	(pc) =	sbr.abs _section_cstart, $3  }
0xc0: {  	[dreg:$0x1] =	wrdreg $0xFFFFFFFF  }
0xc1: {  	_ =	task.clear_ibuf [dreg:s7], $0x2FFFF;
	_ =	strace $0x9FFFFFFF  }
0xc2: {  	(tm) =	ssettm $0x7FFFFFFF  }
0xc3: {  	_ =	shalt  }
tec
execute0_lowered:
.L_overlay_start_1:
0x0: {  	(tag) =	ssettag $0x1  }
0x1: {  	s1 =	srdreg.scid;
	s6 =	rddreg [dreg:$0x0]  }
0x2: {  	s0 =	stileid.u32;
	s2 =	rddreg [dreg:$0x1]  }
0x3: {  	s4 =	simm.s32 $0x0;
	s5 =	sand.u32 $0x1, s1;
	s31 =	sshll.u32 s0, $0x1  }
0x4: {  	s10 =	simm.s32 $0x1900;
	s11 =	simm.s32 $0x1;
	s1 =	sor.u32 s5, s31  }
0x5: {  	s12 =	simm.s32 $0x0;
	[smem:$0x7FF] =	sst s4;
	s3 =	smul.u32 $0x1900, s1  }
0x6: {  	s8 =	ssub.s32 $0x2, s5;
	s5 =	sadd.s32 $0xF42E00, s6;
	s1 =	rddreg [dreg:$0x2]  }
0x7: {  	_ =	strace $0x80000047;
	s9 =	sshrl.u32 s8, $0x1;
	s7 =	sshrl.u32 s3, $0x3  }
0x8: {  	s8 =	ssub.s32 s8, s9;
	s9 =	simm.s32 $0x320;
	s7 =	sadd.s32 s7, s6  }
0x9: {  	s6 =	sadd.s32 $0xA00, s7;
	s7 =	smax.u32 s8, $0x1;
	s8 =	simm.s32 $0x2  }
.LBB2_1:
0xa: {  	[tilespmem:s4], [sflag:$0x2] =	stream.linear.gather [hbm4b:s6+s4], $0x1900, $0x38;
	[tilespmem:$0xE100] =	vst v63  }
0xb: {  	_ =	swait.ge [sflag:s8], $0x1900  }
0xc: {  	[sflag:s8] =	ssyncset.done $0x0  }
0xd: {  	s13 =	simm.s32 $0x0;
	[sflag:s8] =	ssyncadd.s32 $0xFFFFE700  }
.LBB2_2:
0xe: {  	s14 =	smul.u32 $0x320, s13;
	_ =	sdelay $0x1  }
0xf: {  	[tilespmem:s10], [sflag:$0x1] =	stream.indirect.gather [hbm4b:s5+s9], $0x40, s14, s9, $0xb8;
	[tilespmem:$0xE100] =	vst v63  }
0x10: {  	_ =	swait.ge [sflag:s11], $0xC800  }
0x11: {  	[sflag:s11] =	ssyncset.done $0x0  }
0x12: {  	s15 =	simm.s32 $0x0;
	[sflag:s11] =	ssyncadd.s32 $0xFFFF3800  }
0x13: {  	v0 =	vld [tilespmem:s15+$0x1900]  }
0x14: {  	v2 =	vld [tilespmem:s15+$0x1910]  }
0x15: {  	s16 =	simm.s32 $0x100;
	v1 =	vld [tilespmem:s15+$0x1920]  }
.LBB2_3:
0x16: {  	p0 =	sne.s32 s16, $0x31F00;
	v3 =	vld [tilespmem:s15+$0x1930];
	_ =	sdelay $0x1  }
0x17: {  	v0 =	vmul.f32 $8.000000000e+00, v0  }
.Ltmp0:
0x18: {  	v2 =	vmul.f32 $8.000000000e+00, v2;
	(pc) =	sbr.rel @p0 .LBB2_3-.Ltmp0, $4  }
0x19: {  	s17 =	sshra.s32 s16, $0x2;
	[tilespmem:s15+$0x1900] =	vst v0;
	v1 =	vmul.f32 $8.000000000e+00, v1  }
0x1a: {  	v0 =	vld [tilespmem:s17+$0x1900];
	[tilespmem:s15+$0x1910] =	vst v2;
	v3 =	vmul.f32 $8.000000000e+00, v3  }
0x1b: {  	v2 =	vld [tilespmem:s17+$0x1910];
	[tilespmem:s15+$0x1920] =	vst v1  }
0x1c: {  	s16 =	sadd.s32 $0x100, s16;
	v1 =	vld [tilespmem:s17+$0x1920];
	[tilespmem:s15+$0x1930] =	vst v3;
	s15 =	smov.u32 s17  }
0x1d: {  	v3 =	vld [tilespmem:s15+$0x1930];
	_ =	sdelay $0x1  }
0x1e: {  	v0 =	vmul.f32 $8.000000000e+00, v0  }
0x1f: {  	v2 =	vmul.f32 $8.000000000e+00, v2  }
0x20: {  	[tilespmem:s15+$0x1900] =	vst v0;
	v62 =	vmul.f32 $8.000000000e+00, v1  }
0x21: {  	s14 =	sadd.s32 s3, s14;
	s13 =	sadd.s32 $0x1, s13;
	[tilespmem:s15+$0x1910] =	vst v2;
	v63 =	vmul.f32 $8.000000000e+00, v3  }
0x22: {  	s14 =	sshll.u32 s14, $0x3;
	p0 =	sne.s32 s13, $0x8;
	[tilespmem:s15+$0x1920] =	vst v62  }
.Ltmp1:
0x23: {  	s14 =	sadd.s32 s2, s14;
	[tilespmem:s15+$0x1930] =	vst v63;
	(pc) =	sbr.rel @p0 .LBB2_2-.Ltmp1, $4  }
0x24: {  	[hbm4b:s14+s4] =	stream.linear.scatter [tilespmem:s10], [sflag:$0x2], $0xC800, $0x38;
	[tilespmem:$0xE100] =	vst v63  }
0x25: {  	_ =	swait.ge [sflag:s8], $0xC800  }
0x26: {  	[sflag:s8] =	ssyncset.done $0x0  }
0x27: {  	[sflag:s8] =	ssyncadd.s32 $0xFFFF3800  }
0x28: {  	s12 =	sadd.s32 $0x1, s12  }
0x29: {  	p0 =	sne.s32 s12, s7  }
.Ltmp2:
0x2a: {  	_ = 	snop;
	(pc) =	sbr.rel @p0 .LBB2_1-.Ltmp2, $1  }
0x2b: {  	_ =	sdelay $0x3  }
0x2c: {  	_ =	sfence.sel $0x180000  }
0x2d: {  	[bflag:$0x0] =	sbarrier.arrive $0xFFFF  }
0x2e: {  	p0 =	sne.s32 s0, $0x0;
	_ =	strace $0x90000047  }
0x2f: {  	s0 =	sadd.s32 @!p0 $0x100000, s1;
	[bflag:$0x2] =	sbarrier.arrive $0xFFFF  }
0x30: {  	[sflag:s0] =	ssyncadd.tile.s32 @!p0 $0x1;
	_ =	shalt  }
.Lfunc_end2:
_tile_overlayer_lowered:
.L_overlay_start_2:
0x31: {  	(tag) =	ssettag $0x2  }
0x32: {  	s0 =	rddreg [dreg:$0x0];
	s2 =	stileid.u32  }
0x33: {  	s1 =	rddreg [dreg:$0x1];
	p0 =	sne.s32 s2, $0x0  }
0x34: {  	s3 =	rddreg [dreg:$0x2];
	[bflag:$0x3] =	sbarrier.arrive $0xFFFF;
	s2 =	simm.s32 @!p0 $0x1C02  }
0x35: {  	[timem:s3], [sflag:s2] =	dma.local @!p0 [hbm:s0], s1  }
0x36: {  	s0 =	simm.s32 @!p0 $0x2  }
0x37: {  	_ =	swait.ge @!p0 [sflag:s0], s1  }
0x38: {  	s1 =	ssub.s32 @!p0 $0x0, s1;
	[sflag:s0] =	ssyncset.done @!p0 $0x0  }
0x39: {  	[sflag:s0] =	ssyncadd.s32 @!p0 s1  }
0x3a: {  	[bflag:$0x3] =	sbarrier.arrive $0xFFFF  }
0x3b: {  	_ =	shalt  }

// kernel: sparse-core-data-format-call.cloned.1.call-start
scs
called_computation_lowered:
.L_overlay_start_0:
0x0: {  	s2 =	sld [smem:$0x3FD9]  }
0x1: {  	s3 =	sld [smem:$0x3FFE];
	_ =	sdelay $0x1  }
0x2: {  	s1 =	srdreg.scid  }
0x3: {  	s0 =	sand.u32 $0x1, s1  }
0x4: {  	s18 =	sshll.u32 s0, $0xA;
	s2 =	sadd.s32 s3, s2  }
0x5: {  	s2 =	sadd.s32 s2, s18  }
0x6: {  	[smem:$0x3FC6] =	sst s2  }
0x7: {  	_ = 	snop  }
0x8: {  	s2 =	sld [smem:$0x3FD0];
	(tm) =	ssettm $0x1  }
0x9: {  	s19 =	sld [smem:$0x3FFB];
	_ =	sdelay $0x3  }
0xa: {  	_ =	strace s19  }
0xb: {  	s3 =	sld [smem:$0x3FFC];
	_ =	sdelay $0x3  }
0xc: {  	_ =	strace s3  }
0xd: {  	s3 =	sld [smem:$0x3FFD];
	_ =	sdelay $0x3  }
0xe: {  	_ =	strace s3  }
0xf: {  	_ =	strace $0x8FFFFFFF  }
0x10: {  	s20 =	sld [smem:$0x3FDB];
	_ =	sdelay $0x1  }
0x11: {  	s4 =	simm.s32 $_scs_section_size  }
0x12: {  	s5 =	simm.s32 $_size__tile_overlayer_lowered;
	s6 =	simm.s32 $_tile_overlayer_lowered  }
0x13: {  	s23 =	simm.s32 $0x1BFF;
	s22 =	sshll.u32 s6, $0x1;
	s3 =	sadd.s32 s4, s20  }
0x14: {  	s7 =	simm.s32 $0x0;
	s21 =	sshll.u32 s5, $0x1;
	s5 =	sadd.s32 s22, s3  }
0x15: {  	[timem:s7], [sflag:s23] =	dma.local [hbm:s5], s21  }
0x16: {  	_ =	swait.ge [sflag:s23], s21  }
0x17: {  	s4 =	ssub.s32 $0x0, s21;
	[sflag:s23] =	ssyncset.done $0x0  }
0x18: {  	[sflag:s23] =	ssyncadd.s32 s4;
	_ =	sdelay $0x1  }
0x19: {  	s24 =	simm.s32 $0x1B8B  }
0x1a: {  	_ =	swait.ge [sflag:s24], $0x1  }
0x1b: {  	[sflag:s24] =	ssyncset.done $0x0  }
0x1c: {  	s26 =	simm.s32 $0x1B8E;
	s25 =	sld [smem:$0x3FFE];
	[sflag:s24] =	ssyncadd.s32 $0xFFFFFFFF  }
0x1d: {  	s27 =	simm.s32 $execute0_lowered;
	[smem:$0x3FD2] =	sst s26  }
0x1e: {  	s5 =	sshll.u32 s27, $0x1;
	_ =	strace $0x80000049;
	[dreg:$0x1] =	wrdreg $0xFFFFFFFF  }
0x1f: {  	s28 =	simm.s32 $_size_execute0_lowered;
	s3 =	sadd.s32 s3, s5;
	[dreg:$0x0] =	wrdreg $0x0  }
0x20: {  	s5 =	sshll.u32 s28, $0x1;
	[dreg:$0x2] =	wrdreg s3  }
0x21: {  	[dreg:$0x3] =	wrdreg s5  }
0x22: {  	[dreg:$0x4] =	wrdreg $0xC0  }
0x23: {  	_ =	task [dreg:s7], $0x5FFFF  }
0x24: {  	[dreg:$0x1] =	wrdreg $0xFFFFFFFF  }
0x25: {  	[dreg:$0x0] =	wrdreg $0x60  }
0x26: {  	[dreg:$0x2] =	wrdreg s25  }
0x27: {  	[dreg:$0x3] =	wrdreg s2  }
0x28: {  	[dreg:$0x4] =	wrdreg $0x9  }
0x29: {  	_ =	task.clear_ibuf [dreg:s7], $0x5FFFF;
	_ =	strace $0x90000049  }
0x2a: {  	s29 =	simm.s32 $0x9;
	_ =	strace $0x8000004B  }
0x2b: {  	_ =	swait.ge [sflag:s29], $0x1  }
0x2c: {  	[sflag:s29] =	ssyncadd.s32 $0xFFFFFFFF  }
0x2d: {  	_ =	strace $0x9000004B  }
0x2e: {  	_ =	sfence  }
0x2f: {  	s30 =	sld [smem:$0x0];
	_ =	sdelay $0x2  }
0x30: {  	s31 =	sshll.u32 s1, $0xD;
	s1 =	sshrl.u32 s1, $0x2  }
0x31: {  	s3 =	sand.u32 $0x4000, s31;
	s1 =	sadd.s32 s1, s30  }
0x32: {  	s0 =	sor.u32 s3, s0;
	s1 =	sshll.u32 s1, $0x11  }
0x33: {  	s0 =	sor.u32 s1, s0  }
0x34: {  	s0 =	sadd.s32 $0x8F2B, s0  }
0x35: {  	[sflag:s0] =	ssyncadd.remote.s32 $0x1  }
0x36: {  	_ =	sfence.sel $0xFFFF  }
0x37: {  	[dreg:$0x0] =	wrdreg $0xFFFFFFFF;
	(pc) =	sbr.abs _section_cstart, $3  }
0x38: {  	[dreg:$0x1] =	wrdreg $0xFFFFFFFF  }
0x39: {  	_ =	task.clear_ibuf [dreg:s7], $0x2FFFF;
	_ =	strace $0x9FFFFFFF  }
0x3a: {  	(tm) =	ssettm $0x7FFFFFFF  }
0x3b: {  	_ =	shalt  }
tec
execute0_lowered:
.L_overlay_start_1:
0x0: {  	(tag) =	ssettag $0x1  }
0x1: {  	s0 =	stileid.u32;
	s6 =	rddreg [dreg:$0x0]  }
0x2: {  	s2 =	rddreg [dreg:$0x1];
	s5 =	srdreg.scid  }
0x3: {  	s31 =	simm.s32 $0x2;
	s13 =	simm.s32 $0x0;
	s1 =	sshll.u32 s0, $0x7  }
0x4: {  	s14 =	simm.s32 $0x0;
	s12 =	simm.s32 $0x0;
	s3 =	sand.u32 $0x380, s1  }
0x5: {  	s5 =	sshll.u32 s5, $0x4;
	s6 =	sadd.s32 $0xA00, s6;
	s4 =	ssub.s32 $0x400, s3  }
0x6: {  	s1 =	rddreg [dreg:$0x2];
	_ =	strace $0x8000004A;
	s7 =	sand.u32 $0x380, s4  }
0x7: {  	s5 =	sand.u32 $0x10, s5;
	p0 =	sne.s32 s7, $0x0;
	s7 =	simm.s32 $0x1  }
.Ltmp0:
0x8: {  	s8 =	sshrl.u32 s4, $0xA;
	s7 =	simm.s32 @!p0 $0x0;
	(pc) =	sbr.rel .LBB1_1-.Ltmp0, $4  }
0x9: {  	s9 =	sor.u32 s0, s5;
	s4 =	simm.s32 $0x1;
	s30 =	sadd.s32 s7, s8  }
0xa: {  	s11 =	smov.u32 s3;
	[sflag:s4] =	ssyncpa.u1 $0x0;
	s5 =	smul.u32 $0x32, s30  }
0xb: {  	[sflag:s31] =	ssyncpa.u1 $0x0;
	p0 =	por $0x0, $0x0;
	s7 =	sshrl.u32 s9, $0x3  }
0xc: {  	s9 =	simm.s32 $0x2000;
	s10 =	smov.u32 s7;
	s8 =	sor.u32 $0x1, s5  }
.LBB1_4:
0xd: {  	s17 =	sand.u32 $0x1F80, s14;
	s13 =	sshll.u32 s13, $0xD  }
0xe: {  	[tilespmem:s16+$0x810 ss:$0x81] =	vst.msk $0xffff, v2;
	s18 =	sshrl.u32 s14, $0x3;
	s31 =	sand.u32 $0x7, s14;
	s17 =	sadd.s32 s2, s17  }
0xf: {  	[tilespmem:s16+$0x1020 ss:$0x81] =	vst.msk $0xffff, v0;
	s18 =	sand.u32 $0xF, s18;
	s14 =	sshll.u32 s31, $0x12;
	s13 =	sadd.s32 s13, s17  }
0x10: {  	[tilespmem:s16+$0x0 ss:$0x81] =	vst.msk $0xffff, v1;
	s14 =	sor.u32 $0x400, s14;
	s13 =	sadd.s32 s18, s13  }
0x11: {  	[hbm4b:s13+s14] =	stream.strided.scatter [tilespmem:s15], [sflag:$0x2], $0x2000, s9, s14, $0x20;
	[tilespmem:$0x8080] =	vst v63  }
.LBB1_5:
0x12: {  	s15 =	sadd.s32 $0x4, s10  }
0x13: {  	s13 =	sadd.s32 $0x400, s11;
	s17 =	smov.u32 s11;
	p2 =	sgt.s32 s15, $0xC7  }
0x14: {  	s17 =	smov.u32 @p2 s13  }
0x15: {  	s15 =	smov.u32 @p2 s7;
	p2 =	sgt.s32 s17, $0x3FF  }
0x16: {  	s17 =	smov.u32 @p2 s3;
	p2 =	sne.s32 s12, s8  }
.Ltmp1:
0x17: {  	p1 =	slt.u32 s12, $0x2;
	(pc) =	sbr.rel @!p2 .LBB1_6-.Ltmp1, $4  }
0x18: {  	s16 =	simm.s32 @!p1 $0x2  }
0x19: {  	s14 =	smov.u32 s11;
	p0 =	por !p0, !p0;
	_ =	swait.ge @!p1 [sflag:s16], $0x2000  }
0x1a: {  	s13 =	smov.u32 s10;
	[sflag:s16] =	ssyncset.done @!p1 $0x0;
	s10 =	smov.u32 s15  }
0x1b: {  	s12 =	sadd.s32 $0x1, s12;
	[sflag:s16] =	ssyncadd.s32 @!p1 $0xFFFFE000;
	s11 =	smov.u32 s17  }
.LBB1_1:
0x1c: {  	p1 =	sge.u32 s12, s5  }
0x1d: {  	s15 =	sand.u32 @!p1 $0x1FFFFFF, s10  }
0x1e: {  	s16 =	smulhi.u32 @!p1 $0x147AE15, s15;
	_ =	sdelay $0x1  }
0x1f: {  	s16 =	smul.u32 @!p1 $0xC8, s16  }
0x20: {  	s17 =	sxor.u32 @!p1 $0xFFFFFFFF, s12;
	s18 =	smul.u32 @!p1 $0xC80, s11  }
0x21: {  	s31 =	sadd.s32 $0xFFFFFFFF, s12;
	s17 =	sshll.u32 @!p1 s17, $0xD;
	s15 =	ssub.s32 @!p1 s15, s16  }
0x22: {  	s16 =	sand.u32 @!p1 $0x2000, s17;
	s17 =	sadd.s32 @!p1 s6, s18;
	s15 =	sshll.u32 @!p1 s15, $0x4  }
0x23: {  	s18 =	simm.s32 @!p1 $0x6400;
	s15 =	sadd.s32 @!p1 s15, s17;
	s17 =	simm.s32 @!p1 $0x40  }
0x24: {  	[tilespmem:s16], [sflag:$0x1] =	stream.strided.gather @!p1 [hbm4b:s15+s17], $0x2000, s18, s17, $0x38;
	[tilespmem:$0x8080] =	vst v63  }
0x25: {  	p1 =	sge.u32 s31, s5  }
.Ltmp2:
0x26: {  	_ = 	snop;
	(pc) =	sbr.rel @p1 .LBB1_5-.Ltmp2, $1  }
0x27: {  	_ =	sdelay $0x3  }
0x28: {  	s15 =	simm.s32 $0x1  }
0x29: {  	_ =	swait.ge [sflag:s4], $0x2000;
	s15 =	simm.s32 @!p0 $0x0  }
0x2a: {  	[sflag:s4] =	ssyncset.done $0x0;
	s16 =	sshll.u32 s15, $0xD  }
0x2b: {  	[sflag:s4] =	ssyncadd.s32 $0xFFFFE000;
	s19 =	sor.u32 $0x20, s16  }
0x2c: {  	s15 =	smul.u32 $0x8100, s15;
	v3 =	vld [tilespmem:s19+$0x10]  }
0x2d: {  	s30 =	sand.u32 $0x1, s12;
	v2 =	vld [tilespmem:s19+$0xFFFFFFF0]  }
0x2e: {  	s16 =	smul.u32 $0x8100, s30;
	s15 =	sshrl.u32 s15, $0x2;
	v0 =	vld [tilespmem:s19+$0x0]  }
0x2f: {  	v1 =	vld [tilespmem:s19+$0xFFFFFFE0];
	s17 =	sor.u32 $0x4000, s15  }
0x30: {  	s31 =	sshrl.u32 s16, $0x2;
	s16 =	sadd.s32 $0x0, s17  }
0x31: {  	s18 =	simm.s32 $0x4;
	s19 =	sadd.s32 $0x40, s19;
	s15 =	sor.u32 $0x4000, s31;
	[tilespmem:s16+$0x1830 ss:$0x81] =	vst.msk $0xffff, v3  }
.LBB1_3:
0x32: {  	v3 =	vld [tilespmem:s19+$0x10];
	p1 =	sne.s32 s18, $0x1FC;
	[tilespmem:s16+$0x810 ss:$0x81] =	vst.msk $0xffff, v2;
	s20 =	smov.u32 s18;
	s18 =	sadd.s32 $0x4, s18  }
.Ltmp3:
0x33: {  	v2 =	vld [tilespmem:s19+$0xFFFFFFF0];
	[tilespmem:s16+$0x1020 ss:$0x81] =	vst.msk $0xffff, v0;
	(pc) =	sbr.rel @p1 .LBB1_3-.Ltmp3, $4  }
0x34: {  	v0 =	vld [tilespmem:s19+$0x0];
	[tilespmem:s16+$0x0 ss:$0x81] =	vst.msk $0xffff, v1  }
0x35: {  	s16 =	sshra.s32 s20, $0x2;
	v1 =	vld [tilespmem:s19+$0xFFFFFFE0]  }
0x36: {  	s16 =	sadd.s32 s16, s17  }
0x37: {  	s19 =	sadd.s32 $0x40, s19;
	[tilespmem:s16+$0x1830 ss:$0x81] =	vst.msk $0xffff, v3  }
.Ltmp4:
0x38: {  	_ = 	snop;
	(pc) =	sbr.rel .LBB1_4-.Ltmp4, $1  }
0x39: {  	_ =	sdelay $0x3  }
.LBB1_6:
0x3a: {  	_ =	sfence.sel $0x180000  }
0x3b: {  	s2 =	simm.s32 $0x1;
	[bflag:$0x0] =	sbarrier.arrive $0xFFFF  }
0x3c: {  	s31 =	simm.s32 $0x2;
	[sflag:s2] =	ssyncpa.u1 $0x1  }
0x3d: {  	[sflag:s31] =	ssyncpa.u1 $0x1  }
0x3e: {  	p0 =	sne.s32 s0, $0x0;
	_ =	strace $0x9000004A  }
0x3f: {  	s0 =	sadd.s32 @!p0 $0x100000, s1;
	[bflag:$0x2] =	sbarrier.arrive $0xFFFF  }
0x40: {  	[sflag:s0] =	ssyncadd.tile.s32 @!p0 $0x1;
	_ =	shalt  }
.Lfunc_end1:
_tile_overlayer_lowered:
.L_overlay_start_2:
0x41: {  	(tag) =	ssettag $0x2  }
0x42: {  	s0 =	rddreg [dreg:$0x0];
	s2 =	stileid.u32  }
0x43: {  	s1 =	rddreg [dreg:$0x1];
	p0 =	sne.s32 s2, $0x0  }
0x44: {  	s3 =	rddreg [dreg:$0x2];
	[bflag:$0x3] =	sbarrier.arrive $0xFFFF;
	s2 =	simm.s32 @!p0 $0x1C01  }
0x45: {  	[timem:s3], [sflag:s2] =	dma.local @!p0 [hbm:s0], s1  }
0x46: {  	s0 =	simm.s32 @!p0 $0x1  }
0x47: {  	_ =	swait.ge @!p0 [sflag:s0], s1  }
0x48: {  	s1 =	ssub.s32 @!p0 $0x0, s1;
	[sflag:s0] =	ssyncset.done @!p0 $0x0  }
0x49: {  	[sflag:s0] =	ssyncadd.s32 @!p0 s1  }
0x4a: {  	[bflag:$0x3] =	sbarrier.arrive $0xFFFF  }
0x4b: {  	_ =	shalt  }

</sc_bundles>
